<compile_context>
chip_gen: v7x
topology: tpu7x:2x2x1
jax: 0.10.2.dev20260603
libtpu: 0.0.44.dev20260713+nightly
codegen_flags: <defaults>
</compile_context>

<pallas_src>
import functools

import jax
import jax.numpy as jnp
from jax import lax
from jax.experimental import pallas as pl
from jax.experimental.pallas import tpu as pltpu
from jax.experimental.pallas import tpu_sc as plsc

_B, _J, _H, _W = 128, 17, 64, 48
_HW = _H * _W
_TOPK = 8

_TCJ = 14
_SCJ = _J - _TCJ
_RB = 512
_GRID = _HW // _RB

_NC, _NS, _L = 2, 16, 16
_NW = _NC * _NS
_RPW = _HW // _NW
_NLG = _B // _L

_sc_mesh = plsc.VectorSubcoreMesh(core_axis_name="c", subcore_axis_name="s")


@functools.partial(
    pl.kernel,
    out_type=jax.ShapeDtypeStruct((_NW, _SCJ, _B), jnp.float32),
    mesh=_sc_mesh,
    scratch_types=[
        pltpu.VMEM((_RPW, _B), jnp.float32),
        pltpu.VMEM((_RPW, _B), jnp.float32),
        pltpu.VMEM((_SCJ, _B), jnp.float32),
    ],
)
def _sc_partials(o_hbm, t_hbm, out_hbm, o_v, t_v, acc_v):
    wid = lax.axis_index("s") * _NC + lax.axis_index("c")
    base = wid * _RPW

    def per_joint(j, carry):
        pltpu.sync_copy(o_hbm.at[_TCJ + j, pl.ds(base, _RPW), :], o_v)
        pltpu.sync_copy(t_hbm.at[_TCJ + j, pl.ds(base, _RPW), :], t_v)

        def per_row(r, accs):
            new = []
            for k in range(_NLG):
                o16 = o_v[r, pl.ds(k * _L, _L)]
                t16 = t_v[r, pl.ds(k * _L, _L)]
                dd = o16 - t16
                new.append(accs[k] + dd * dd)
            return tuple(new)

        accs = lax.fori_loop(
            0, _RPW, per_row,
            tuple(jnp.zeros((_L,), jnp.float32) for _ in range(_NLG)),
        )
        for k in range(_NLG):
            acc_v[j, pl.ds(k * _L, _L)] = accs[k]
        return carry

    lax.fori_loop(0, _SCJ, per_joint, 0)
    pltpu.sync_copy(acc_v, out_hbm.at[wid])


def _tc_sums_kernel(o_ref, t_ref, out_ref):
    i = pl.program_id(0)
    d = o_ref[...] - t_ref[...]
    part = jnp.sum(d * d, axis=1)

    @pl.when(i == 0)
    def _():
        out_ref[...] = jnp.zeros((_TCJ, _B), jnp.float32)

    out_ref[...] += part


def _combine_kernel(s_ref, p_ref, w_ref, out_ref):
    s_sc = jnp.sum(p_ref[...], axis=0)
    s = jnp.concatenate([s_ref[...], s_sc], axis=0)
    w = w_ref[...]
    vals = s * (w * w) * (0.5 / _HW)
    row = jax.lax.broadcasted_iota(jnp.int32, vals.shape, 0)
    acc = jnp.zeros((_B,), jnp.float32)
    neg_inf = jnp.float32(-jnp.inf)
    for _ in range(_TOPK):
        m = jnp.max(vals, axis=0)
        acc = acc + m
        is_max = vals == m[None, :]
        first_idx = jnp.min(jnp.where(is_max, row, _J), axis=0)
        vals = jnp.where(row == first_idx[None, :], neg_inf, vals)
    out_ref[0, 0] = jnp.sum(acc) * (1.0 / (_TOPK * _B))


def kernel(outs, targets, target_weights):
    o = jnp.transpose(outs, (1, 2, 3, 0)).reshape(_J, _HW, _B)
    t = jnp.transpose(targets, (1, 2, 3, 0)).reshape(_J, _HW, _B)
    w = jnp.transpose(target_weights, (1, 2, 0)).reshape(_J, _B)
    part = _sc_partials(o, t)
    s_tc = pl.pallas_call(
        _tc_sums_kernel,
        grid=(_GRID,),
        in_specs=[
            pl.BlockSpec((_TCJ, _RB, _B), lambda i: (0, i, 0)),
            pl.BlockSpec((_TCJ, _RB, _B), lambda i: (0, i, 0)),
        ],
        out_specs=pl.BlockSpec((_TCJ, _B), lambda i: (0, 0)),
        out_shape=jax.ShapeDtypeStruct((_TCJ, _B), jnp.float32),
    )(o, t)
    out = pl.pallas_call(
        _combine_kernel,
        out_specs=pl.BlockSpec(
            (1, 1), lambda: (0, 0), memory_space=pltpu.SMEM
        ),
        out_shape=jax.ShapeDtypeStruct((1, 1), jnp.float32),
    )(s_tc, part, w)
    return out.reshape(())

# --- scband reference (transcript-rebuilt; emitter-appended) ---
"""Pipeline reference for scband-joints-ohkmmseloss-1563368096621 (READ-ONLY COPY).

The authoritative reference and input builder live on the scoring server;
editing this copy changes nothing except your own understanding.
"""

import jax, jax.numpy as jnp
import numpy as np

TOPK = 8
USE_TARGET_WEIGHT = True


def setup_inputs(seed: int = 0) -> dict:
    key = jax.random.key(seed)
    k1, k2, k3 = jax.random.split(key, 3)
    outs = jax.random.normal(k1, (128, 17, 64, 48), dtype=jnp.float32)
    targets = jax.random.uniform(k2, (128, 17, 64, 48), dtype=jnp.float32)
    target_weights = jax.random.uniform(k3, (128, 17, 1), dtype=jnp.float32)
    return {"outs": outs, "targets": targets, "target_weights": target_weights}


def reference(outs, targets, target_weights):
    batch_size = outs.shape[0]
    num_joints = outs.shape[1]
    pred = outs.reshape(batch_size, num_joints, -1)   # [B, J, HW]
    tgt = targets.reshape(batch_size, num_joints, -1)  # [B, J, HW]
    if USE_TARGET_WEIGHT:
        w = target_weights  # [B, J, 1] broadcasts over HW
        pred = pred * w
        tgt = tgt * w
    # nn.MSELoss(reduction='none') scaled by 0.5, then mean over heatmap dim
    loss = 0.5 * (pred - tgt) ** 2      # [B, J, HW]
    loss = jnp.mean(loss, axis=2)       # [B, J]
    # OHKM: per-sample top-k over joints, averaged
    topk_val, _ = jax.lax.top_k(loss, k=TOPK)   # [B, TOPK]
    ohkm_loss = jnp.sum(topk_val, axis=1) / TOPK  # [B]
    ohkm_loss = jnp.sum(ohkm_loss) / batch_size
    return ohkm_loss

if __name__ == "__main__":
    import jax
    _d = setup_inputs()
    print(jax.jit(kernel)(*tuple(_d.values())))

</pallas_src>

<mosaic_0001>
#map = affine_map<(d0, d1) -> (0, 0, 0)>
module attributes {stable_mosaic.version = 14 : i64} {
  func.func @_sc_partials(%arg0: i32, %arg1: i32, %arg2: memref<17x3072x128xf32, #tpu.memory_space<hbm>>, %arg3: memref<17x3072x128xf32, #tpu.memory_space<hbm>>, %arg4: memref<32x3x128xf32, #tpu.memory_space<hbm>>, %arg5: memref<96x128xf32, #tpu.memory_space<vmem>>, %arg6: memref<96x128xf32, #tpu.memory_space<vmem>>, %arg7: memref<3x128xf32, #tpu.memory_space<vmem>>) attributes {dimension_semantics = [#tpu.dimension_semantics<core_parallel>, #tpu.dimension_semantics<subcore_parallel>], iteration_bounds = array<i64: 2, 16>, scalar_prefetch = 0 : i64, scratch_operands = 3 : i64, tpu.core_type = #tpu.core_type<sc_vector_subcore>, window_params = [{transform_indices = #map}, {transform_indices = #map}, {transform_indices = #map}]} {
    %mul3A = arith.constant 2 : i32
    %mul3A_0 = arith.muli %arg1, %mul3A : i32
    %add3A = arith.addi %mul3A_0, %arg0 : i32
    %mul3A_1 = arith.constant 96 : i32
    %mul3A_2 = arith.muli %add3A, %mul3A_1 : i32
    %scan3A = arith.constant 0 : i32
    %scan3A_3 = arith.constant 0 : i32
    %scan3A_4 = arith.constant 3 : i32
    %scan3A_5 = arith.addi %scan3A_3, %scan3A_4 : i32
    %scan3A_6 = arith.constant 1 : i32
    scf.for %scan3A_8 = %scan3A_3 to %scan3A_5 step %scan3A_6  : i32 {
      %add3A_9 = arith.constant 14 : i32
      %add3A_10 = arith.addi %add3A_9, %scan3A_8 : i32
      "tpu.region"() ({
        %run_scoped3A = tpu.sem_alloc : memref<!tpu.dma_semaphore, #tpu.memory_space<semaphore_mem>>
        %dma_start3A = arith.constant 0 : i32
        %dma_start3A_73 = tpu.memref_slice %arg2[%add3A_10, %mul3A_2, %dma_start3A] : memref<17x3072x128xf32, #tpu.memory_space<hbm>> -> memref<1x96x128xf32, #tpu.memory_space<hbm>>
        %dma_start3A_74 = tpu.memref_squeeze %dma_start3A_73 : memref<1x96x128xf32, #tpu.memory_space<hbm>> -> memref<96x128xf32, #tpu.memory_space<hbm>>
        %dma_start3A_75 = arith.constant 0 : i32
        %dma_start3A_76 = tpu.memref_slice %arg2[%add3A_10, %mul3A_2, %dma_start3A_75] : memref<17x3072x128xf32, #tpu.memory_space<hbm>> -> memref<1x96x128xf32, #tpu.memory_space<hbm>>
        %dma_start3A_77 = tpu.memref_squeeze %dma_start3A_76 : memref<1x96x128xf32, #tpu.memory_space<hbm>> -> memref<96x128xf32, #tpu.memory_space<hbm>>
        tpu.enqueue_dma source(%dma_start3A_77 : memref<96x128xf32, #tpu.memory_space<hbm>>) target(%arg5 : memref<96x128xf32, #tpu.memory_space<vmem>>) target_semaphore(%run_scoped3A : memref<!tpu.dma_semaphore, #tpu.memory_space<semaphore_mem>>)
        %dma_wait3A = arith.constant 0 : i32
        %dma_wait3A_78 = tpu.memref_slice %arg2[%add3A_10, %mul3A_2, %dma_wait3A] : memref<17x3072x128xf32, #tpu.memory_space<hbm>> -> memref<1x96x128xf32, #tpu.memory_space<hbm>>
        %dma_wait3A_79 = tpu.memref_squeeze %dma_wait3A_78 : memref<1x96x128xf32, #tpu.memory_space<hbm>> -> memref<96x128xf32, #tpu.memory_space<hbm>>
        %dma_wait3A_80 = arith.constant 0 : i32
        %dma_wait3A_81 = tpu.memref_slice %arg2[%add3A_10, %mul3A_2, %dma_wait3A_80] : memref<17x3072x128xf32, #tpu.memory_space<hbm>> -> memref<1x96x128xf32, #tpu.memory_space<hbm>>
        %dma_wait3A_82 = tpu.memref_squeeze %dma_wait3A_81 : memref<1x96x128xf32, #tpu.memory_space<hbm>> -> memref<96x128xf32, #tpu.memory_space<hbm>>
        tpu.wait_dma2 semaphore(%run_scoped3A : memref<!tpu.dma_semaphore, #tpu.memory_space<semaphore_mem>>) src(%dma_wait3A_82 : memref<96x128xf32, #tpu.memory_space<hbm>>) dst(%arg5 : memref<96x128xf32, #tpu.memory_space<vmem>>)
        tpu.yield
      }) : () -> ()
      %add3A_11 = arith.constant 14 : i32
      %add3A_12 = arith.addi %add3A_11, %scan3A_8 : i32
      "tpu.region"() ({
        %run_scoped3A = tpu.sem_alloc : memref<!tpu.dma_semaphore, #tpu.memory_space<semaphore_mem>>
        %dma_start3A = arith.constant 0 : i32
        %dma_start3A_73 = tpu.memref_slice %arg3[%add3A_12, %mul3A_2, %dma_start3A] : memref<17x3072x128xf32, #tpu.memory_space<hbm>> -> memref<1x96x128xf32, #tpu.memory_space<hbm>>
        %dma_start3A_74 = tpu.memref_squeeze %dma_start3A_73 : memref<1x96x128xf32, #tpu.memory_space<hbm>> -> memref<96x128xf32, #tpu.memory_space<hbm>>
        %dma_start3A_75 = arith.constant 0 : i32
        %dma_start3A_76 = tpu.memref_slice %arg3[%add3A_12, %mul3A_2, %dma_start3A_75] : memref<17x3072x128xf32, #tpu.memory_space<hbm>> -> memref<1x96x128xf32, #tpu.memory_space<hbm>>
        %dma_start3A_77 = tpu.memref_squeeze %dma_start3A_76 : memref<1x96x128xf32, #tpu.memory_space<hbm>> -> memref<96x128xf32, #tpu.memory_space<hbm>>
        tpu.enqueue_dma source(%dma_start3A_77 : memref<96x128xf32, #tpu.memory_space<hbm>>) target(%arg6 : memref<96x128xf32, #tpu.memory_space<vmem>>) target_semaphore(%run_scoped3A : memref<!tpu.dma_semaphore, #tpu.memory_space<semaphore_mem>>)
        %dma_wait3A = arith.constant 0 : i32
        %dma_wait3A_78 = tpu.memref_slice %arg3[%add3A_12, %mul3A_2, %dma_wait3A] : memref<17x3072x128xf32, #tpu.memory_space<hbm>> -> memref<1x96x128xf32, #tpu.memory_space<hbm>>
        %dma_wait3A_79 = tpu.memref_squeeze %dma_wait3A_78 : memref<1x96x128xf32, #tpu.memory_space<hbm>> -> memref<96x128xf32, #tpu.memory_space<hbm>>
        %dma_wait3A_80 = arith.constant 0 : i32
        %dma_wait3A_81 = tpu.memref_slice %arg3[%add3A_12, %mul3A_2, %dma_wait3A_80] : memref<17x3072x128xf32, #tpu.memory_space<hbm>> -> memref<1x96x128xf32, #tpu.memory_space<hbm>>
        %dma_wait3A_82 = tpu.memref_squeeze %dma_wait3A_81 : memref<1x96x128xf32, #tpu.memory_space<hbm>> -> memref<96x128xf32, #tpu.memory_space<hbm>>
        tpu.wait_dma2 semaphore(%run_scoped3A : memref<!tpu.dma_semaphore, #tpu.memory_space<semaphore_mem>>) src(%dma_wait3A_82 : memref<96x128xf32, #tpu.memory_space<hbm>>) dst(%arg6 : memref<96x128xf32, #tpu.memory_space<vmem>>)
        tpu.yield
      }) : () -> ()
      %broadcast_in_dim3A = arith.constant 0.000000e+00 : f32
      %broadcast_in_dim3A_13 = vector.broadcast %broadcast_in_dim3A : f32 to vector<16xf32>
      %broadcast_in_dim3A_14 = arith.constant 0.000000e+00 : f32
      %broadcast_in_dim3A_15 = vector.broadcast %broadcast_in_dim3A_14 : f32 to vector<16xf32>
      %broadcast_in_dim3A_16 = arith.constant 0.000000e+00 : f32
      %broadcast_in_dim3A_17 = vector.broadcast %broadcast_in_dim3A_16 : f32 to vector<16xf32>
      %broadcast_in_dim3A_18 = arith.constant 0.000000e+00 : f32
      %broadcast_in_dim3A_19 = vector.broadcast %broadcast_in_dim3A_18 : f32 to vector<16xf32>
      %broadcast_in_dim3A_20 = arith.constant 0.000000e+00 : f32
      %broadcast_in_dim3A_21 = vector.broadcast %broadcast_in_dim3A_20 : f32 to vector<16xf32>
      %broadcast_in_dim3A_22 = arith.constant 0.000000e+00 : f32
      %broadcast_in_dim3A_23 = vector.broadcast %broadcast_in_dim3A_22 : f32 to vector<16xf32>
      %broadcast_in_dim3A_24 = arith.constant 0.000000e+00 : f32
      %broadcast_in_dim3A_25 = vector.broadcast %broadcast_in_dim3A_24 : f32 to vector<16xf32>
      %broadcast_in_dim3A_26 = arith.constant 0.000000e+00 : f32
      %broadcast_in_dim3A_27 = vector.broadcast %broadcast_in_dim3A_26 : f32 to vector<16xf32>
      %scan3A_28 = arith.constant 0 : i32
      %scan3A_29 = arith.constant 96 : i32
      %scan3A_30 = arith.addi %scan3A_28, %scan3A_29 : i32
      %scan3A_31 = arith.constant 1 : i32
      %scan3A_32:8 = scf.for %scan3A_73 = %scan3A_28 to %scan3A_30 step %scan3A_31 iter_args(%scan3A_74 = %broadcast_in_dim3A_13, %scan3A_75 = %broadcast_in_dim3A_15, %scan3A_76 = %broadcast_in_dim3A_17, %scan3A_77 = %broadcast_in_dim3A_19, %scan3A_78 = %broadcast_in_dim3A_21, %scan3A_79 = %broadcast_in_dim3A_23, %scan3A_80 = %broadcast_in_dim3A_25, %scan3A_81 = %broadcast_in_dim3A_27) -> (vector<16xf32>, vector<16xf32>, vector<16xf32>, vector<16xf32>, vector<16xf32>, vector<16xf32>, vector<16xf32>, vector<16xf32>)  : i32 {
        %get3A = arith.index_cast %scan3A_73 : i32 to index
        %get3A_82 = arith.constant 0 : index
        %get3A_83 = tpu.vector_load %arg5[%get3A, %get3A_82] {strides = array<i32>} : memref<96x128xf32, #tpu.memory_space<vmem>>, vector<1x16xf32>,
        %get3A_84 = vector.shape_cast %get3A_83 : vector<1x16xf32> to vector<16xf32>
        %get3A_85 = arith.index_cast %scan3A_73 : i32 to index
        %get3A_86 = arith.constant 0 : index
        %get3A_87 = tpu.vector_load %arg6[%get3A_85, %get3A_86] {strides = array<i32>} : memref<96x128xf32, #tpu.memory_space<vmem>>, vector<1x16xf32>,
        %get3A_88 = vector.shape_cast %get3A_87 : vector<1x16xf32> to vector<16xf32>
        %sub3A = arith.subf %get3A_84, %get3A_88 : vector<16xf32>
        %mul3A_89 = arith.mulf %sub3A, %sub3A : vector<16xf32>
        %add3A_90 = arith.addf %scan3A_74, %mul3A_89 : vector<16xf32>
        %get3A_91 = arith.index_cast %scan3A_73 : i32 to index
        %get3A_92 = arith.constant 16 : index
        %get3A_93 = tpu.vector_load %arg5[%get3A_91, %get3A_92] {strides = array<i32>} : memref<96x128xf32, #tpu.memory_space<vmem>>, vector<1x16xf32>,
        %get3A_94 = vector.shape_cast %get3A_93 : vector<1x16xf32> to vector<16xf32>
        %get3A_95 = arith.index_cast %scan3A_73 : i32 to index
        %get3A_96 = arith.constant 16 : index
        %get3A_97 = tpu.vector_load %arg6[%get3A_95, %get3A_96] {strides = array<i32>} : memref<96x128xf32, #tpu.memory_space<vmem>>, vector<1x16xf32>,
        %get3A_98 = vector.shape_cast %get3A_97 : vector<1x16xf32> to vector<16xf32>
        %sub3A_99 = arith.subf %get3A_94, %get3A_98 : vector<16xf32>
        %mul3A_100 = arith.mulf %sub3A_99, %sub3A_99 : vector<16xf32>
        %add3A_101 = arith.addf %scan3A_75, %mul3A_100 : vector<16xf32>
        %get3A_102 = arith.index_cast %scan3A_73 : i32 to index
        %get3A_103 = arith.constant 32 : index
        %get3A_104 = tpu.vector_load %arg5[%get3A_102, %get3A_103] {strides = array<i32>} : memref<96x128xf32, #tpu.memory_space<vmem>>, vector<1x16xf32>,
        %get3A_105 = vector.shape_cast %get3A_104 : vector<1x16xf32> to vector<16xf32>
        %get3A_106 = arith.index_cast %scan3A_73 : i32 to index
        %get3A_107 = arith.constant 32 : index
        %get3A_108 = tpu.vector_load %arg6[%get3A_106, %get3A_107] {strides = array<i32>} : memref<96x128xf32, #tpu.memory_space<vmem>>, vector<1x16xf32>,
        %get3A_109 = vector.shape_cast %get3A_108 : vector<1x16xf32> to vector<16xf32>
        %sub3A_110 = arith.subf %get3A_105, %get3A_109 : vector<16xf32>
        %mul3A_111 = arith.mulf %sub3A_110, %sub3A_110 : vector<16xf32>
        %add3A_112 = arith.addf %scan3A_76, %mul3A_111 : vector<16xf32>
        %get3A_113 = arith.index_cast %scan3A_73 : i32 to index
        %get3A_114 = arith.constant 48 : index
        %get3A_115 = tpu.vector_load %arg5[%get3A_113, %get3A_114] {strides = array<i32>} : memref<96x128xf32, #tpu.memory_space<vmem>>, vector<1x16xf32>,
        %get3A_116 = vector.shape_cast %get3A_115 : vector<1x16xf32> to vector<16xf32>
        %get3A_117 = arith.index_cast %scan3A_73 : i32 to index
        %get3A_118 = arith.constant 48 : index
        %get3A_119 = tpu.vector_load %arg6[%get3A_117, %get3A_118] {strides = array<i32>} : memref<96x128xf32, #tpu.memory_space<vmem>>, vector<1x16xf32>,
        %get3A_120 = vector.shape_cast %get3A_119 : vector<1x16xf32> to vector<16xf32>
        %sub3A_121 = arith.subf %get3A_116, %get3A_120 : vector<16xf32>
        %mul3A_122 = arith.mulf %sub3A_121, %sub3A_121 : vector<16xf32>
        %add3A_123 = arith.addf %scan3A_77, %mul3A_122 : vector<16xf32>
        %get3A_124 = arith.index_cast %scan3A_73 : i32 to index
        %get3A_125 = arith.constant 64 : index
        %get3A_126 = tpu.vector_load %arg5[%get3A_124, %get3A_125] {strides = array<i32>} : memref<96x128xf32, #tpu.memory_space<vmem>>, vector<1x16xf32>,
        %get3A_127 = vector.shape_cast %get3A_126 : vector<1x16xf32> to vector<16xf32>
        %get3A_128 = arith.index_cast %scan3A_73 : i32 to index
        %get3A_129 = arith.constant 64 : index
        %get3A_130 = tpu.vector_load %arg6[%get3A_128, %get3A_129] {strides = array<i32>} : memref<96x128xf32, #tpu.memory_space<vmem>>, vector<1x16xf32>,
        %get3A_131 = vector.shape_cast %get3A_130 : vector<1x16xf32> to vector<16xf32>
        %sub3A_132 = arith.subf %get3A_127, %get3A_131 : vector<16xf32>
        %mul3A_133 = arith.mulf %sub3A_132, %sub3A_132 : vector<16xf32>
        %add3A_134 = arith.addf %scan3A_78, %mul3A_133 : vector<16xf32>
        %get3A_135 = arith.index_cast %scan3A_73 : i32 to index
        %get3A_136 = arith.constant 80 : index
        %get3A_137 = tpu.vector_load %arg5[%get3A_135, %get3A_136] {strides = array<i32>} : memref<96x128xf32, #tpu.memory_space<vmem>>, vector<1x16xf32>,
        %get3A_138 = vector.shape_cast %get3A_137 : vector<1x16xf32> to vector<16xf32>
        %get3A_139 = arith.index_cast %scan3A_73 : i32 to index
        %get3A_140 = arith.constant 80 : index
        %get3A_141 = tpu.vector_load %arg6[%get3A_139, %get3A_140] {strides = array<i32>} : memref<96x128xf32, #tpu.memory_space<vmem>>, vector<1x16xf32>,
        %get3A_142 = vector.shape_cast %get3A_141 : vector<1x16xf32> to vector<16xf32>
        %sub3A_143 = arith.subf %get3A_138, %get3A_142 : vector<16xf32>
        %mul3A_144 = arith.mulf %sub3A_143, %sub3A_143 : vector<16xf32>
        %add3A_145 = arith.addf %scan3A_79, %mul3A_144 : vector<16xf32>
        %get3A_146 = arith.index_cast %scan3A_73 : i32 to index
        %get3A_147 = arith.constant 96 : index
        %get3A_148 = tpu.vector_load %arg5[%get3A_146, %get3A_147] {strides = array<i32>} : memref<96x128xf32, #tpu.memory_space<vmem>>, vector<1x16xf32>,
        %get3A_149 = vector.shape_cast %get3A_148 : vector<1x16xf32> to vector<16xf32>
        %get3A_150 = arith.index_cast %scan3A_73 : i32 to index
        %get3A_151 = arith.constant 96 : index
        %get3A_152 = tpu.vector_load %arg6[%get3A_150, %get3A_151] {strides = array<i32>} : memref<96x128xf32, #tpu.memory_space<vmem>>, vector<1x16xf32>,
        %get3A_153 = vector.shape_cast %get3A_152 : vector<1x16xf32> to vector<16xf32>
        %sub3A_154 = arith.subf %get3A_149, %get3A_153 : vector<16xf32>
        %mul3A_155 = arith.mulf %sub3A_154, %sub3A_154 : vector<16xf32>
        %add3A_156 = arith.addf %scan3A_80, %mul3A_155 : vector<16xf32>
        %get3A_157 = arith.index_cast %scan3A_73 : i32 to index
        %get3A_158 = arith.constant 112 : index
        %get3A_159 = tpu.vector_load %arg5[%get3A_157, %get3A_158] {strides = array<i32>} : memref<96x128xf32, #tpu.memory_space<vmem>>, vector<1x16xf32>,
        %get3A_160 = vector.shape_cast %get3A_159 : vector<1x16xf32> to vector<16xf32>
        %get3A_161 = arith.index_cast %scan3A_73 : i32 to index
        %get3A_162 = arith.constant 112 : index
        %get3A_163 = tpu.vector_load %arg6[%get3A_161, %get3A_162] {strides = array<i32>} : memref<96x128xf32, #tpu.memory_space<vmem>>, vector<1x16xf32>,
        %get3A_164 = vector.shape_cast %get3A_163 : vector<1x16xf32> to vector<16xf32>
        %sub3A_165 = arith.subf %get3A_160, %get3A_164 : vector<16xf32>
        %mul3A_166 = arith.mulf %sub3A_165, %sub3A_165 : vector<16xf32>
        %add3A_167 = arith.addf %scan3A_81, %mul3A_166 : vector<16xf32>
        scf.yield %add3A_90, %add3A_101, %add3A_112, %add3A_123, %add3A_134, %add3A_145, %add3A_156, %add3A_167 : vector<16xf32>, vector<16xf32>, vector<16xf32>, vector<16xf32>, vector<16xf32>, vector<16xf32>, vector<16xf32>, vector<16xf32>
      }
      %scan3A_33 = arith.constant 96 : i32
      %swap3A = arith.index_cast %scan3A_8 : i32 to index
      %swap3A_34 = arith.constant 0 : index
      %swap3A_35 = tpu.vector_load %arg7[%swap3A, %swap3A_34] {strides = array<i32>} : memref<3x128xf32, #tpu.memory_space<vmem>>, vector<1x16xf32>,
      %swap3A_36 = vector.shape_cast %swap3A_35 : vector<1x16xf32> to vector<16xf32>
      %swap3A_37 = vector.shape_cast %scan3A_32#0 : vector<16xf32> to vector<1x16xf32>
      tpu.vector_store %arg7[%swap3A, %swap3A_34], %swap3A_37 {strides = array<i32>} : memref<3x128xf32, #tpu.memory_space<vmem>>, vector<1x16xf32>,
      %swap3A_38 = arith.index_cast %scan3A_8 : i32 to index
      %swap3A_39 = arith.constant 16 : index
      %swap3A_40 = tpu.vector_load %arg7[%swap3A_38, %swap3A_39] {strides = array<i32>} : memref<3x128xf32, #tpu.memory_space<vmem>>, vector<1x16xf32>,
      %swap3A_41 = vector.shape_cast %swap3A_40 : vector<1x16xf32> to vector<16xf32>
      %swap3A_42 = vector.shape_cast %scan3A_32#1 : vector<16xf32> to vector<1x16xf32>
      tpu.vector_store %arg7[%swap3A_38, %swap3A_39], %swap3A_42 {strides = array<i32>} : memref<3x128xf32, #tpu.memory_space<vmem>>, vector<1x16xf32>,
      %swap3A_43 = arith.index_cast %scan3A_8 : i32 to index
      %swap3A_44 = arith.constant 32 : index
      %swap3A_45 = tpu.vector_load %arg7[%swap3A_43, %swap3A_44] {strides = array<i32>} : memref<3x128xf32, #tpu.memory_space<vmem>>, vector<1x16xf32>,
      %swap3A_46 = vector.shape_cast %swap3A_45 : vector<1x16xf32> to vector<16xf32>
      %swap3A_47 = vector.shape_cast %scan3A_32#2 : vector<16xf32> to vector<1x16xf32>
      tpu.vector_store %arg7[%swap3A_43, %swap3A_44], %swap3A_47 {strides = array<i32>} : memref<3x128xf32, #tpu.memory_space<vmem>>, vector<1x16xf32>,
      %swap3A_48 = arith.index_cast %scan3A_8 : i32 to index
      %swap3A_49 = arith.constant 48 : index
      %swap3A_50 = tpu.vector_load %arg7[%swap3A_48, %swap3A_49] {strides = array<i32>} : memref<3x128xf32, #tpu.memory_space<vmem>>, vector<1x16xf32>,
      %swap3A_51 = vector.shape_cast %swap3A_50 : vector<1x16xf32> to vector<16xf32>
      %swap3A_52 = vector.shape_cast %scan3A_32#3 : vector<16xf32> to vector<1x16xf32>
      tpu.vector_store %arg7[%swap3A_48, %swap3A_49], %swap3A_52 {strides = array<i32>} : memref<3x128xf32, #tpu.memory_space<vmem>>, vector<1x16xf32>,
      %swap3A_53 = arith.index_cast %scan3A_8 : i32 to index
      %swap3A_54 = arith.constant 64 : index
      %swap3A_55 = tpu.vector_load %arg7[%swap3A_53, %swap3A_54] {strides = array<i32>} : memref<3x128xf32, #tpu.memory_space<vmem>>, vector<1x16xf32>,
      %swap3A_56 = vector.shape_cast %swap3A_55 : vector<1x16xf32> to vector<16xf32>
      %swap3A_57 = vector.shape_cast %scan3A_32#4 : vector<16xf32> to vector<1x16xf32>
      tpu.vector_store %arg7[%swap3A_53, %swap3A_54], %swap3A_57 {strides = array<i32>} : memref<3x128xf32, #tpu.memory_space<vmem>>, vector<1x16xf32>,
      %swap3A_58 = arith.index_cast %scan3A_8 : i32 to index
      %swap3A_59 = arith.constant 80 : index
      %swap3A_60 = tpu.vector_load %arg7[%swap3A_58, %swap3A_59] {strides = array<i32>} : memref<3x128xf32, #tpu.memory_space<vmem>>, vector<1x16xf32>,
      %swap3A_61 = vector.shape_cast %swap3A_60 : vector<1x16xf32> to vector<16xf32>
      %swap3A_62 = vector.shape_cast %scan3A_32#5 : vector<16xf32> to vector<1x16xf32>
      tpu.vector_store %arg7[%swap3A_58, %swap3A_59], %swap3A_62 {strides = array<i32>} : memref<3x128xf32, #tpu.memory_space<vmem>>, vector<1x16xf32>,
      %swap3A_63 = arith.index_cast %scan3A_8 : i32 to index
      %swap3A_64 = arith.constant 96 : index
      %swap3A_65 = tpu.vector_load %arg7[%swap3A_63, %swap3A_64] {strides = array<i32>} : memref<3x128xf32, #tpu.memory_space<vmem>>, vector<1x16xf32>,
      %swap3A_66 = vector.shape_cast %swap3A_65 : vector<1x16xf32> to vector<16xf32>
      %swap3A_67 = vector.shape_cast %scan3A_32#6 : vector<16xf32> to vector<1x16xf32>
      tpu.vector_store %arg7[%swap3A_63, %swap3A_64], %swap3A_67 {strides = array<i32>} : memref<3x128xf32, #tpu.memory_space<vmem>>, vector<1x16xf32>,
      %swap3A_68 = arith.index_cast %scan3A_8 : i32 to index
      %swap3A_69 = arith.constant 112 : index
      %swap3A_70 = tpu.vector_load %arg7[%swap3A_68, %swap3A_69] {strides = array<i32>} : memref<3x128xf32, #tpu.memory_space<vmem>>, vector<1x16xf32>,
      %swap3A_71 = vector.shape_cast %swap3A_70 : vector<1x16xf32> to vector<16xf32>
      %swap3A_72 = vector.shape_cast %scan3A_32#7 : vector<16xf32> to vector<1x16xf32>
      tpu.vector_store %arg7[%swap3A_68, %swap3A_69], %swap3A_72 {strides = array<i32>} : memref<3x128xf32, #tpu.memory_space<vmem>>, vector<1x16xf32>,
    }
    %scan3A_7 = arith.constant 3 : i32
    "tpu.region"() ({
      %run_scoped3A = tpu.sem_alloc : memref<!tpu.dma_semaphore, #tpu.memory_space<semaphore_mem>>
      %dma_start3A = arith.constant 0 : i32
      %dma_start3A_8 = arith.constant 0 : i32
      %dma_start3A_9 = tpu.memref_slice %arg4[%add3A, %dma_start3A, %dma_start3A_8] : memref<32x3x128xf32, #tpu.memory_space<hbm>> -> memref<1x3x128xf32, #tpu.memory_space<hbm>>
      %dma_start3A_10 = tpu.memref_squeeze %dma_start3A_9 : memref<1x3x128xf32, #tpu.memory_space<hbm>> -> memref<3x128xf32, #tpu.memory_space<hbm>>
      %dma_start3A_11 = arith.constant 0 : i32
      %dma_start3A_12 = arith.constant 0 : i32
      %dma_start3A_13 = tpu.memref_slice %arg4[%add3A, %dma_start3A_11, %dma_start3A_12] : memref<32x3x128xf32, #tpu.memory_space<hbm>> -> memref<1x3x128xf32, #tpu.memory_space<hbm>>
      %dma_start3A_14 = tpu.memref_squeeze %dma_start3A_13 : memref<1x3x128xf32, #tpu.memory_space<hbm>> -> memref<3x128xf32, #tpu.memory_space<hbm>>
      tpu.enqueue_dma source(%arg7 : memref<3x128xf32, #tpu.memory_space<vmem>>) target(%dma_start3A_14 : memref<3x128xf32, #tpu.memory_space<hbm>>) target_semaphore(%run_scoped3A : memref<!tpu.dma_semaphore, #tpu.memory_space<semaphore_mem>>)
      %dma_wait3A = arith.constant 0 : i32
      %dma_wait3A_15 = arith.constant 0 : i32
      %dma_wait3A_16 = tpu.memref_slice %arg4[%add3A, %dma_wait3A, %dma_wait3A_15] : memref<32x3x128xf32, #tpu.memory_space<hbm>> -> memref<1x3x128xf32, #tpu.memory_space<hbm>>
      %dma_wait3A_17 = tpu.memref_squeeze %dma_wait3A_16 : memref<1x3x128xf32, #tpu.memory_space<hbm>> -> memref<3x128xf32, #tpu.memory_space<hbm>>
      %dma_wait3A_18 = arith.constant 0 : i32
      %dma_wait3A_19 = arith.constant 0 : i32
      %dma_wait3A_20 = tpu.memref_slice %arg4[%add3A, %dma_wait3A_18, %dma_wait3A_19] : memref<32x3x128xf32, #tpu.memory_space<hbm>> -> memref<1x3x128xf32, #tpu.memory_space<hbm>>
      %dma_wait3A_21 = tpu.memref_squeeze %dma_wait3A_20 : memref<1x3x128xf32, #tpu.memory_space<hbm>> -> memref<3x128xf32, #tpu.memory_space<hbm>>
      tpu.wait_dma2 semaphore(%run_scoped3A : memref<!tpu.dma_semaphore, #tpu.memory_space<semaphore_mem>>) src(%arg7 : memref<3x128xf32, #tpu.memory_space<vmem>>) dst(%dma_wait3A_21 : memref<3x128xf32, #tpu.memory_space<hbm>>)
      tpu.yield
    }) : () -> ()
    return
  }
}

module attributes {stable_mosaic.version = 14 : i64} {
  func.func @_tc_sums_kernel(%arg0: i32, %arg1: memref<14x512x128xf32, #tpu.memory_space<vmem>>, %arg2: memref<14x512x128xf32, #tpu.memory_space<vmem>>, %arg3: memref<14x128xf32, #tpu.memory_space<vmem>>) attributes {dimension_semantics = [#tpu.dimension_semantics<arbitrary>], iteration_bounds = array<i64: 6>, scalar_prefetch = 0 : i64, scratch_operands = 0 : i64, tpu.core_type = #tpu.core_type<tc>, window_params = [{transform_indices = @transform_0, window_bounds = array<i64: 14, 512, 128>}, {transform_indices = @transform_1, window_bounds = array<i64: 14, 512, 128>}, {pipeline_mode = #tpu.pipeline_mode<synchronous>, transform_indices = @transform_2, window_bounds = array<i64: 14, 128>}]} {
    %get3A = arith.constant 0 : index
    %get3A_0 = arith.constant 0 : index
    %get3A_1 = arith.constant 0 : index
    %get3A_2 = vector.load %arg1[%get3A, %get3A_0, %get3A_1] : memref<14x512x128xf32, #tpu.memory_space<vmem>>, vector<14x512x128xf32>
    %get3A_3 = arith.constant 0 : index
    %get3A_4 = arith.constant 0 : index
    %get3A_5 = arith.constant 0 : index
    %get3A_6 = vector.load %arg2[%get3A_3, %get3A_4, %get3A_5] : memref<14x512x128xf32, #tpu.memory_space<vmem>>, vector<14x512x128xf32>
    %sub3A = arith.subf %get3A_2, %get3A_6 : vector<14x512x128xf32>
    %mul3A = arith.mulf %sub3A, %sub3A : vector<14x512x128xf32>
    %reduce_sum3A = arith.constant dense<0.000000e+00> : vector<14x128xf32>
    %reduce_sum3A_7 = vector.multi_reduction <add>, %mul3A, %reduce_sum3A [1] : vector<14x512x128xf32> to vector<14x128xf32>
    %eq3A = arith.constant 0 : i32
    %eq3A_8 = arith.cmpi eq, %arg0, %eq3A : i32
    %convert_element_type3A = arith.extui %eq3A_8 : i1 to i32
    %cond3A = arith.constant 0 : i32
    %cond3A_9 = arith.cmpi ne, %convert_element_type3A, %cond3A : i32
    scf.if %cond3A_9 {
      %broadcast_in_dim3A = arith.constant 0.000000e+00 : f32
      %broadcast_in_dim3A_15 = vector.broadcast %broadcast_in_dim3A : f32 to vector<14x128xf32>
      %swap3A_16 = arith.constant 0 : index
      %swap3A_17 = arith.constant 0 : index
      %swap3A_18 = vector.load %arg3[%swap3A_16, %swap3A_17] : memref<14x128xf32, #tpu.memory_space<vmem>>, vector<14x128xf32>
      tpu.vector_store %arg3[%swap3A_16, %swap3A_17], %broadcast_in_dim3A_15 {strides = array<i32>} : memref<14x128xf32, #tpu.memory_space<vmem>>, vector<14x128xf32>,
    } else {
    }
    %get3A_10 = arith.constant 0 : index
    %get3A_11 = arith.constant 0 : index
    %get3A_12 = vector.load %arg3[%get3A_10, %get3A_11] : memref<14x128xf32, #tpu.memory_space<vmem>>, vector<14x128xf32>
    %add3A = arith.addf %get3A_12, %reduce_sum3A_7 : vector<14x128xf32>
    %swap3A = arith.constant 0 : index
    %swap3A_13 = arith.constant 0 : index
    %swap3A_14 = vector.load %arg3[%swap3A, %swap3A_13] : memref<14x128xf32, #tpu.memory_space<vmem>>, vector<14x128xf32>
    tpu.vector_store %arg3[%swap3A, %swap3A_13], %add3A {strides = array<i32>} : memref<14x128xf32, #tpu.memory_space<vmem>>, vector<14x128xf32>,
    return
  }
  func.func @transform_0(%arg0: i32) -> (i32, i32, i32) {
    %c0_i32 = arith.constant 0 : i32
    %c0_i32_0 = arith.constant 0 : i32
    %c0_i32_1 = arith.constant 0 : i32
    return %c0_i32, %arg0, %c0_i32_0 : i32, i32, i32
  }
  func.func @transform_1(%arg0: i32) -> (i32, i32, i32) {
    %c0_i32 = arith.constant 0 : i32
    %c0_i32_0 = arith.constant 0 : i32
    %c0_i32_1 = arith.constant 0 : i32
    return %c0_i32, %arg0, %c0_i32_0 : i32, i32, i32
  }
  func.func @transform_2(%arg0: i32) -> (i32, i32) {
    %c0_i32 = arith.constant 0 : i32
    %c0_i32_0 = arith.constant 0 : i32
    %c0_i32_1 = arith.constant 0 : i32
    return %c0_i32, %c0_i32_0 : i32, i32
  }
}

module attributes {stable_mosaic.version = 14 : i64} {
  func.func @_combine_kernel(%arg0: memref<14x128xf32, #tpu.memory_space<vmem>>, %arg1: memref<32x3x128xf32, #tpu.memory_space<vmem>>, %arg2: memref<17x128xf32, #tpu.memory_space<vmem>>, %arg3: memref<1x1xf32, #tpu.memory_space<smem>>) attributes {dimension_semantics = [], scalar_prefetch = 0 : i64, scratch_operands = 0 : i64, tpu.core_type = #tpu.core_type<tc>} {
    %get3A = arith.constant 0 : index
    %get3A_0 = arith.constant 0 : index
    %get3A_1 = arith.constant 0 : index
    %get3A_2 = vector.load %arg1[%get3A, %get3A_0, %get3A_1] : memref<32x3x128xf32, #tpu.memory_space<vmem>>, vector<32x3x128xf32>
    %reduce_sum3A = arith.constant dense<0.000000e+00> : vector<3x128xf32>
    %reduce_sum3A_3 = vector.multi_reduction <add>, %get3A_2, %reduce_sum3A [0] : vector<32x3x128xf32> to vector<3x128xf32>
    %get3A_4 = arith.constant 0 : index
    %get3A_5 = arith.constant 0 : index
    %get3A_6 = vector.load %arg0[%get3A_4, %get3A_5] : memref<14x128xf32, #tpu.memory_space<vmem>>, vector<14x128xf32>
    %concatenate3A = tpu.concatenate %get3A_6, %reduce_sum3A_3 in 0 : vector<14x128xf32>, vector<3x128xf32> -> vector<17x128xf32>
    %get3A_7 = arith.constant 0 : index
    %get3A_8 = arith.constant 0 : index
    %get3A_9 = vector.load %arg2[%get3A_7, %get3A_8] : memref<17x128xf32, #tpu.memory_space<vmem>>, vector<17x128xf32>
    %mul3A = arith.mulf %get3A_9, %get3A_9 : vector<17x128xf32>
    %mul3A_10 = arith.mulf %concatenate3A, %mul3A : vector<17x128xf32>
    %mul3A_11 = arith.constant 1.62760422E-4 : f32
    %mul3A_12 = vector.broadcast %mul3A_11 : f32 to vector<17x128xf32>
    %mul3A_13 = arith.mulf %mul3A_10, %mul3A_12 : vector<17x128xf32>
    %iota3A = tpu.iota {dimensions = array<i32: 0>} : vector<17x128xi32>
    %broadcast_in_dim3A = arith.constant 0.000000e+00 : f32
    %broadcast_in_dim3A_14 = vector.broadcast %broadcast_in_dim3A : f32 to vector<128xf32>
    %reduce_max3A = arith.constant dense<0xFF800000> : vector<128xf32>
    %reduce_max3A_15 = vector.multi_reduction <maximumf>, %mul3A_13, %reduce_max3A [0] : vector<17x128xf32> to vector<128xf32>
    %add3A = arith.addf %broadcast_in_dim3A_14, %reduce_max3A_15 : vector<128xf32>
    %broadcast_in_dim3A_16 = vector.shape_cast %reduce_max3A_15 : vector<128xf32> to vector<1x128xf32>
    %eq3A = vector.broadcast %broadcast_in_dim3A_16 : vector<1x128xf32> to vector<17x128xf32>
    %eq3A_17 = arith.cmpf oeq, %mul3A_13, %eq3A : vector<17x128xf32>
    %jit3A = arith.constant 17 : i32
    %broadcast_in_dim3A_18 = vector.broadcast %jit3A : i32 to vector<17x128xi32>
    %select_n3A = arith.select %eq3A_17, %iota3A, %broadcast_in_dim3A_18 : vector<17x128xi1>, vector<17x128xi32>
    %reduce_min3A = arith.constant dense<2147483647> : vector<128xi32>
    %reduce_min3A_19 = vector.multi_reduction <minsi>, %select_n3A, %reduce_min3A [0] : vector<17x128xi32> to vector<128xi32>
    %broadcast_in_dim3A_20 = vector.shape_cast %reduce_min3A_19 : vector<128xi32> to vector<1x128xi32>
    %eq3A_21 = vector.broadcast %broadcast_in_dim3A_20 : vector<1x128xi32> to vector<17x128xi32>
    %eq3A_22 = arith.cmpi eq, %iota3A, %eq3A_21 : vector<17x128xi32>
    %jit3A_23 = arith.constant 0xFF800000 : f32
    %broadcast_in_dim3A_24 = vector.broadcast %jit3A_23 : f32 to vector<17x128xf32>
    %select_n3A_25 = arith.select %eq3A_22, %broadcast_in_dim3A_24, %mul3A_13 : vector<17x128xi1>, vector<17x128xf32>
    %reduce_max3A_26 = arith.constant dense<0xFF800000> : vector<128xf32>
    %reduce_max3A_27 = vector.multi_reduction <maximumf>, %select_n3A_25, %reduce_max3A_26 [0] : vector<17x128xf32> to vector<128xf32>
    %add3A_28 = arith.addf %add3A, %reduce_max3A_27 : vector<128xf32>
    %broadcast_in_dim3A_29 = vector.shape_cast %reduce_max3A_27 : vector<128xf32> to vector<1x128xf32>
    %eq3A_30 = vector.broadcast %broadcast_in_dim3A_29 : vector<1x128xf32> to vector<17x128xf32>
    %eq3A_31 = arith.cmpf oeq, %select_n3A_25, %eq3A_30 : vector<17x128xf32>
    %jit3A_32 = arith.constant 17 : i32
    %broadcast_in_dim3A_33 = vector.broadcast %jit3A_32 : i32 to vector<17x128xi32>
    %select_n3A_34 = arith.select %eq3A_31, %iota3A, %broadcast_in_dim3A_33 : vector<17x128xi1>, vector<17x128xi32>
    %reduce_min3A_35 = arith.constant dense<2147483647> : vector<128xi32>
    %reduce_min3A_36 = vector.multi_reduction <minsi>, %select_n3A_34, %reduce_min3A_35 [0] : vector<17x128xi32> to vector<128xi32>
    %broadcast_in_dim3A_37 = vector.shape_cast %reduce_min3A_36 : vector<128xi32> to vector<1x128xi32>
    %eq3A_38 = vector.broadcast %broadcast_in_dim3A_37 : vector<1x128xi32> to vector<17x128xi32>
    %eq3A_39 = arith.cmpi eq, %iota3A, %eq3A_38 : vector<17x128xi32>
    %jit3A_40 = arith.constant 0xFF800000 : f32
    %broadcast_in_dim3A_41 = vector.broadcast %jit3A_40 : f32 to vector<17x128xf32>
    %select_n3A_42 = arith.select %eq3A_39, %broadcast_in_dim3A_41, %select_n3A_25 : vector<17x128xi1>, vector<17x128xf32>
    %reduce_max3A_43 = arith.constant dense<0xFF800000> : vector<128xf32>
    %reduce_max3A_44 = vector.multi_reduction <maximumf>, %select_n3A_42, %reduce_max3A_43 [0] : vector<17x128xf32> to vector<128xf32>
    %add3A_45 = arith.addf %add3A_28, %reduce_max3A_44 : vector<128xf32>
    %broadcast_in_dim3A_46 = vector.shape_cast %reduce_max3A_44 : vector<128xf32> to vector<1x128xf32>
    %eq3A_47 = vector.broadcast %broadcast_in_dim3A_46 : vector<1x128xf32> to vector<17x128xf32>
    %eq3A_48 = arith.cmpf oeq, %select_n3A_42, %eq3A_47 : vector<17x128xf32>
    %jit3A_49 = arith.constant 17 : i32
    %broadcast_in_dim3A_50 = vector.broadcast %jit3A_49 : i32 to vector<17x128xi32>
    %select_n3A_51 = arith.select %eq3A_48, %iota3A, %broadcast_in_dim3A_50 : vector<17x128xi1>, vector<17x128xi32>
    %reduce_min3A_52 = arith.constant dense<2147483647> : vector<128xi32>
    %reduce_min3A_53 = vector.multi_reduction <minsi>, %select_n3A_51, %reduce_min3A_52 [0] : vector<17x128xi32> to vector<128xi32>
    %broadcast_in_dim3A_54 = vector.shape_cast %reduce_min3A_53 : vector<128xi32> to vector<1x128xi32>
    %eq3A_55 = vector.broadcast %broadcast_in_dim3A_54 : vector<1x128xi32> to vector<17x128xi32>
    %eq3A_56 = arith.cmpi eq, %iota3A, %eq3A_55 : vector<17x128xi32>
    %jit3A_57 = arith.constant 0xFF800000 : f32
    %broadcast_in_dim3A_58 = vector.broadcast %jit3A_57 : f32 to vector<17x128xf32>
    %select_n3A_59 = arith.select %eq3A_56, %broadcast_in_dim3A_58, %select_n3A_42 : vector<17x128xi1>, vector<17x128xf32>
    %reduce_max3A_60 = arith.constant dense<0xFF800000> : vector<128xf32>
    %reduce_max3A_61 = vector.multi_reduction <maximumf>, %select_n3A_59, %reduce_max3A_60 [0] : vector<17x128xf32> to vector<128xf32>
    %add3A_62 = arith.addf %add3A_45, %reduce_max3A_61 : vector<128xf32>
    %broadcast_in_dim3A_63 = vector.shape_cast %reduce_max3A_61 : vector<128xf32> to vector<1x128xf32>
    %eq3A_64 = vector.broadcast %broadcast_in_dim3A_63 : vector<1x128xf32> to vector<17x128xf32>
    %eq3A_65 = arith.cmpf oeq, %select_n3A_59, %eq3A_64 : vector<17x128xf32>
    %jit3A_66 = arith.constant 17 : i32
    %broadcast_in_dim3A_67 = vector.broadcast %jit3A_66 : i32 to vector<17x128xi32>
    %select_n3A_68 = arith.select %eq3A_65, %iota3A, %broadcast_in_dim3A_67 : vector<17x128xi1>, vector<17x128xi32>
    %reduce_min3A_69 = arith.constant dense<2147483647> : vector<128xi32>
    %reduce_min3A_70 = vector.multi_reduction <minsi>, %select_n3A_68, %reduce_min3A_69 [0] : vector<17x128xi32> to vector<128xi32>
    %broadcast_in_dim3A_71 = vector.shape_cast %reduce_min3A_70 : vector<128xi32> to vector<1x128xi32>
    %eq3A_72 = vector.broadcast %broadcast_in_dim3A_71 : vector<1x128xi32> to vector<17x128xi32>
    %eq3A_73 = arith.cmpi eq, %iota3A, %eq3A_72 : vector<17x128xi32>
    %jit3A_74 = arith.constant 0xFF800000 : f32
    %broadcast_in_dim3A_75 = vector.broadcast %jit3A_74 : f32 to vector<17x128xf32>
    %select_n3A_76 = arith.select %eq3A_73, %broadcast_in_dim3A_75, %select_n3A_59 : vector<17x128xi1>, vector<17x128xf32>
    %reduce_max3A_77 = arith.constant dense<0xFF800000> : vector<128xf32>
    %reduce_max3A_78 = vector.multi_reduction <maximumf>, %select_n3A_76, %reduce_max3A_77 [0] : vector<17x128xf32> to vector<128xf32>
    %add3A_79 = arith.addf %add3A_62, %reduce_max3A_78 : vector<128xf32>
    %broadcast_in_dim3A_80 = vector.shape_cast %reduce_max3A_78 : vector<128xf32> to vector<1x128xf32>
    %eq3A_81 = vector.broadcast %broadcast_in_dim3A_80 : vector<1x128xf32> to vector<17x128xf32>
    %eq3A_82 = arith.cmpf oeq, %select_n3A_76, %eq3A_81 : vector<17x128xf32>
    %jit3A_83 = arith.constant 17 : i32
    %broadcast_in_dim3A_84 = vector.broadcast %jit3A_83 : i32 to vector<17x128xi32>
    %select_n3A_85 = arith.select %eq3A_82, %iota3A, %broadcast_in_dim3A_84 : vector<17x128xi1>, vector<17x128xi32>
    %reduce_min3A_86 = arith.constant dense<2147483647> : vector<128xi32>
    %reduce_min3A_87 = vector.multi_reduction <minsi>, %select_n3A_85, %reduce_min3A_86 [0] : vector<17x128xi32> to vector<128xi32>
    %broadcast_in_dim3A_88 = vector.shape_cast %reduce_min3A_87 : vector<128xi32> to vector<1x128xi32>
    %eq3A_89 = vector.broadcast %broadcast_in_dim3A_88 : vector<1x128xi32> to vector<17x128xi32>
    %eq3A_90 = arith.cmpi eq, %iota3A, %eq3A_89 : vector<17x128xi32>
    %jit3A_91 = arith.constant 0xFF800000 : f32
    %broadcast_in_dim3A_92 = vector.broadcast %jit3A_91 : f32 to vector<17x128xf32>
    %select_n3A_93 = arith.select %eq3A_90, %broadcast_in_dim3A_92, %select_n3A_76 : vector<17x128xi1>, vector<17x128xf32>
    %reduce_max3A_94 = arith.constant dense<0xFF800000> : vector<128xf32>
    %reduce_max3A_95 = vector.multi_reduction <maximumf>, %select_n3A_93, %reduce_max3A_94 [0] : vector<17x128xf32> to vector<128xf32>
    %add3A_96 = arith.addf %add3A_79, %reduce_max3A_95 : vector<128xf32>
    %broadcast_in_dim3A_97 = vector.shape_cast %reduce_max3A_95 : vector<128xf32> to vector<1x128xf32>
    %eq3A_98 = vector.broadcast %broadcast_in_dim3A_97 : vector<1x128xf32> to vector<17x128xf32>
    %eq3A_99 = arith.cmpf oeq, %select_n3A_93, %eq3A_98 : vector<17x128xf32>
    %jit3A_100 = arith.constant 17 : i32
    %broadcast_in_dim3A_101 = vector.broadcast %jit3A_100 : i32 to vector<17x128xi32>
    %select_n3A_102 = arith.select %eq3A_99, %iota3A, %broadcast_in_dim3A_101 : vector<17x128xi1>, vector<17x128xi32>
    %reduce_min3A_103 = arith.constant dense<2147483647> : vector<128xi32>
    %reduce_min3A_104 = vector.multi_reduction <minsi>, %select_n3A_102, %reduce_min3A_103 [0] : vector<17x128xi32> to vector<128xi32>
    %broadcast_in_dim3A_105 = vector.shape_cast %reduce_min3A_104 : vector<128xi32> to vector<1x128xi32>
    %eq3A_106 = vector.broadcast %broadcast_in_dim3A_105 : vector<1x128xi32> to vector<17x128xi32>
    %eq3A_107 = arith.cmpi eq, %iota3A, %eq3A_106 : vector<17x128xi32>
    %jit3A_108 = arith.constant 0xFF800000 : f32
    %broadcast_in_dim3A_109 = vector.broadcast %jit3A_108 : f32 to vector<17x128xf32>
    %select_n3A_110 = arith.select %eq3A_107, %broadcast_in_dim3A_109, %select_n3A_93 : vector<17x128xi1>, vector<17x128xf32>
    %reduce_max3A_111 = arith.constant dense<0xFF800000> : vector<128xf32>
    %reduce_max3A_112 = vector.multi_reduction <maximumf>, %select_n3A_110, %reduce_max3A_111 [0] : vector<17x128xf32> to vector<128xf32>
    %add3A_113 = arith.addf %add3A_96, %reduce_max3A_112 : vector<128xf32>
    %broadcast_in_dim3A_114 = vector.shape_cast %reduce_max3A_112 : vector<128xf32> to vector<1x128xf32>
    %eq3A_115 = vector.broadcast %broadcast_in_dim3A_114 : vector<1x128xf32> to vector<17x128xf32>
    %eq3A_116 = arith.cmpf oeq, %select_n3A_110, %eq3A_115 : vector<17x128xf32>
    %jit3A_117 = arith.constant 17 : i32
    %broadcast_in_dim3A_118 = vector.broadcast %jit3A_117 : i32 to vector<17x128xi32>
    %select_n3A_119 = arith.select %eq3A_116, %iota3A, %broadcast_in_dim3A_118 : vector<17x128xi1>, vector<17x128xi32>
    %reduce_min3A_120 = arith.constant dense<2147483647> : vector<128xi32>
    %reduce_min3A_121 = vector.multi_reduction <minsi>, %select_n3A_119, %reduce_min3A_120 [0] : vector<17x128xi32> to vector<128xi32>
    %broadcast_in_dim3A_122 = vector.shape_cast %reduce_min3A_121 : vector<128xi32> to vector<1x128xi32>
    %eq3A_123 = vector.broadcast %broadcast_in_dim3A_122 : vector<1x128xi32> to vector<17x128xi32>
    %eq3A_124 = arith.cmpi eq, %iota3A, %eq3A_123 : vector<17x128xi32>
    %jit3A_125 = arith.constant 0xFF800000 : f32
    %broadcast_in_dim3A_126 = vector.broadcast %jit3A_125 : f32 to vector<17x128xf32>
    %select_n3A_127 = arith.select %eq3A_124, %broadcast_in_dim3A_126, %select_n3A_110 : vector<17x128xi1>, vector<17x128xf32>
    %reduce_max3A_128 = arith.constant dense<0xFF800000> : vector<128xf32>
    %reduce_max3A_129 = vector.multi_reduction <maximumf>, %select_n3A_127, %reduce_max3A_128 [0] : vector<17x128xf32> to vector<128xf32>
    %add3A_130 = arith.addf %add3A_113, %reduce_max3A_129 : vector<128xf32>
    %reduce_sum3A_131 = vector.shape_cast %add3A_130 : vector<128xf32> to vector<1x128xf32>
    %reduce_sum3A_132 = arith.constant dense<0.000000e+00> : vector<1xf32>
    %reduce_sum3A_133 = vector.multi_reduction <add>, %reduce_sum3A_131, %reduce_sum3A_132 [1] : vector<1x128xf32> to vector<1xf32>
    %reduce_sum3A_134 = vector.shape_cast %reduce_sum3A_133 : vector<1xf32> to vector<1x1xf32>
    %reduce_sum3A_135 = vector.extract %reduce_sum3A_134[0, 0] : f32 from vector<1x1xf32>
    %mul3A_136 = arith.constant 9.765625E-4 : f32
    %mul3A_137 = arith.mulf %reduce_sum3A_135, %mul3A_136 : f32
    %swap3A = arith.constant 0 : index
    %swap3A_138 = arith.constant 0 : index
    %swap3A_139 = memref.load %arg3[%swap3A, %swap3A_138] : memref<1x1xf32, #tpu.memory_space<smem>>
    memref.store %mul3A_137, %arg3[%swap3A, %swap3A_138] : memref<1x1xf32, #tpu.memory_space<smem>>
    return
  }
}

</mosaic_0001>

<sc_bundles>
// kernel: kernel.5.cloned.1.call-start
scs
__scs_entry_jumppad:
0x0: {  	(pc) =	sbr.rel $0x88, $3  }
0x1: {  	(tag) =	ssettag $0x0;
	lr =	simm.s32 $0x1  }
0x2: {  	[smem:$0x3F9E] =	sst lr;
	_ =	strace $0xD0000000  }
0x3: {  	_ = 	snop  }
0x4: {  	_ = 	snop  }
0x5: {  	_ = 	snop  }
0x6: {  	_ = 	snop  }
0x7: {  	_ = 	snop  }
__scs_overlays_trampoline_lowered:
0x8: {  	[smem:$0x3FAD] =	sst s0  }
0x9: {  	[smem:$0x3FAE] =	sst s1  }
0xa: {  	[smem:$0x3FAF] =	sst s2  }
0xb: {  	[smem:$0x3FB0] =	sst s3  }
0xc: {  	[smem:$0x3FB1] =	sst s4  }
0xd: {  	[smem:$0x3FB2] =	sst s5  }
0xe: {  	[smem:$0x3FB3] =	sst s6  }
0xf: {  	[smem:$0x3FB4] =	sst s7  }
0x10: {  	[smem:$0x3FB5] =	sst s8  }
0x11: {  	[smem:$0x3FB6] =	sst s9;
	s0 =	simm.s32 @!p0 $0x0  }
0x12: {  	s1 =	sld [smem:$0x3F9C];
	s0 =	simm.s32 @p0 $0x1  }
0x13: {  	[smem:$0x3FB7] =	sst s0;
	s0 =	simm.s32 @!p1 $0x0  }
0x14: {  	s2 =	sld [smem:$0x3F9B];
	s0 =	simm.s32 @p1 $0x1  }
0x15: {  	[smem:$0x3FB8] =	sst s0;
	s0 =	simm.s32 @!p2 $0x0  }
0x16: {  	s3 =	sld [smem:$0x3FDB];
	s0 =	simm.s32 @p2 $0x1  }
0x17: {  	s4 =	simm.s32 $0x1BF5;
	[smem:$0x3FBA] =	sst s0  }
0x18: {  	s0 =	sld [smem:$0x3F9D];
	_ =	swait.ge [sflag:s4], $0x0  }
0x19: {  	s7 =	sld [smem:$0x3F9E]  }
0x1a: {  	s8 =	sadd.s32 $0xFFFFE003, lr  }
0x1b: {  	s9 =	sadd.s32 $0xFFFFFEF7, lr;
	s5 =	simm.s32 $0xFFFFFFFF;
	p2 =	slt.u32 s8, $0xFFFFF086  }
0x1c: {  	p1 =	slt.u32 s9, $0xF7A;
	s5 =	simm.s32 @!p2 $0x0  }
0x1d: {  	s5 =	simm.s32 @p1 $0x1;
	p0 =	seq.s32 s7, s2  }
0x1e: {  	s7 =	smul.u32 @!p0 $0xF7A, s2;
	p2 =	seq.s32 @!p0 s5, $0x0  }
0x1f: {  	s9 =	smul.u32 $0xF7A, s1;
	s8 =	simm.s32 @!p0 $0x1BF5;
	p2 =	por !p2, p0  }
0x20: {  	[sflag:s8] =	ssyncset.s32 @!p0 $0xFFFFF086;
	s6 =	sadd.s32 @!p0 s3, s7;
	s7 =	simm.s32 @!p0 $0x108  }
0x21: {  	s3 =	sadd.s32 s3, s9;
	s6 =	sadd.s32 @!p0 $0x88, s6;
	s7 =	simm.s32 @p2 $0x1082  }
0x22: {  	[simem:s7], [sflag:s8] =	dma.local @!p0 [hbm:s6], $0xF7A  }
0x23: {  	s9 =	sor.u32 $0xD0000000, s2;
	s6 =	simm.s32 $0x108;
	_ =	swait.ge @!p0 [sflag:s8], $0x0  }
0x24: {  	s3 =	sadd.s32 $0x88, s3;
	s6 =	simm.s32 @!p1 $0x1082;
	[sflag:s4] =	ssyncset.s32 $0xFFFFF086  }
0x25: {  	[simem:s6], [sflag:s4] =	dma.local [hbm:s3], $0xF7A  }
0x26: {  	[smem:$0x3F9E] =	sst s1;
	(tag) =	ssettag s2;
	_ =	strace s9  }
0x27: {  	s1 =	sld [smem:$0x3FAE]  }
0x28: {  	s2 =	sld [smem:$0x3FAF]  }
0x29: {  	s4 =	sld [smem:$0x3FB1]  }
0x2a: {  	p0 =	seq.s32 s5, $0x0;
	s5 =	sld [smem:$0x3FB2]  }
0x2b: {  	s6 =	sld [smem:$0x3FB3]  }
0x2c: {  	s7 =	sld [smem:$0x3FB4]  }
0x2d: {  	s3 =	simm.s32 $0x108;
	s8 =	sld [smem:$0x3FB5]  }
0x2e: {  	s3 =	simm.s32 @!p0 $0x1082;
	s9 =	sld [smem:$0x3FB6]  }
0x2f: {  	lr =	sadd.s32 s0, s3;
	s0 =	sld [smem:$0x3FAD]  }
0x30: {  	s3 =	sld [smem:$0x3FB0]  }
0x31: {  	[smem:$0x3FB9] =	sst s10  }
0x32: {  	s10 =	sld [smem:$0x3FB7];
	_ =	sdelay $0x3  }
0x33: {  	p0 =	seq.s32 s10, $0x1;
	s10 =	sld [smem:$0x3FB9];
	_ =	sdelay $0x3  }
0x34: {  	[smem:$0x3FB9] =	sst s10  }
0x35: {  	s10 =	sld [smem:$0x3FB8];
	_ =	sdelay $0x3  }
0x36: {  	p1 =	seq.s32 s10, $0x1;
	s10 =	sld [smem:$0x3FB9];
	_ =	sdelay $0x3  }
0x37: {  	[smem:$0x3FB9] =	sst s10  }
0x38: {  	s10 =	sld [smem:$0x3FBA]  }
0x39: {  	_ = 	snop;
	(pc) =	sbr.ind lr, $3  }
0x3a: {  	_ = 	snop  }
0x3b: {  	_ = 	snop  }
0x3c: {  	p2 =	seq.s32 s10, $0x1;
	s10 =	sld [smem:$0x3FB9]  }
0x3d: {  	_ =	shalt  }
0x3e: {  	_ =	shalt  }
0x3f: {  	_ =	shalt  }
0x40: {  	_ =	shalt  }
0x41: {  	_ =	shalt  }
0x42: {  	_ =	shalt  }
0x43: {  	_ =	shalt  }
0x44: {  	_ =	shalt  }
0x45: {  	_ =	shalt  }
0x46: {  	_ =	shalt  }
0x47: {  	_ =	shalt  }
0x48: {  	_ =	shalt  }
0x49: {  	_ =	shalt  }
0x4a: {  	_ =	shalt  }
0x4b: {  	_ =	shalt  }
0x4c: {  	_ =	shalt  }
0x4d: {  	_ =	shalt  }
0x4e: {  	_ =	shalt  }
0x4f: {  	_ =	shalt  }
0x50: {  	_ =	shalt  }
0x51: {  	_ =	shalt  }
0x52: {  	_ =	shalt  }
0x53: {  	_ =	shalt  }
0x54: {  	_ =	shalt  }
0x55: {  	_ =	shalt  }
0x56: {  	_ =	shalt  }
0x57: {  	_ =	shalt  }
0x58: {  	_ =	shalt  }
0x59: {  	_ =	shalt  }
0x5a: {  	_ =	shalt  }
0x5b: {  	_ =	shalt  }
0x5c: {  	_ =	shalt  }
0x5d: {  	_ =	shalt  }
0x5e: {  	_ =	shalt  }
0x5f: {  	_ =	shalt  }
0x60: {  	_ =	shalt  }
0x61: {  	_ =	shalt  }
0x62: {  	_ =	shalt  }
0x63: {  	_ =	shalt  }
0x64: {  	_ =	shalt  }
0x65: {  	_ =	shalt  }
0x66: {  	_ =	shalt  }
0x67: {  	_ =	shalt  }
0x68: {  	_ =	shalt  }
0x69: {  	_ =	shalt  }
0x6a: {  	_ =	shalt  }
0x6b: {  	_ =	shalt  }
0x6c: {  	_ =	shalt  }
0x6d: {  	_ =	shalt  }
0x6e: {  	_ =	shalt  }
0x6f: {  	_ =	shalt  }
0x70: {  	_ =	shalt  }
0x71: {  	_ =	shalt  }
0x72: {  	_ =	shalt  }
0x73: {  	_ =	shalt  }
0x74: {  	_ =	shalt  }
0x75: {  	_ =	shalt  }
0x76: {  	_ =	shalt  }
0x77: {  	_ =	shalt  }
0x78: {  	_ =	shalt  }
0x79: {  	_ =	shalt  }
0x7a: {  	_ =	shalt  }
0x7b: {  	_ =	shalt  }
0x7c: {  	_ =	shalt  }
0x7d: {  	_ =	shalt  }
0x7e: {  	_ =	shalt  }
0x7f: {  	_ =	shalt  }
0x80: {  	_ =	shalt  }
0x81: {  	_ =	shalt  }
0x82: {  	_ =	shalt  }
0x83: {  	_ =	shalt  }
0x84: {  	_ =	shalt  }
0x85: {  	_ =	shalt  }
0x86: {  	_ =	shalt  }
0x87: {  	_ =	shalt  }
.Lfunc_end0:
.L_simem_size_0:
called_computation_lowered:
.L_overlay_start_0:
0x88: {  	s2 =	sld [smem:$0x3FD9]  }
0x89: {  	s3 =	sld [smem:$0x3FFE];
	_ =	sdelay $0x1  }
0x8a: {  	s1 =	srdreg.scid  }
0x8b: {  	s0 =	sand.u32 $0x1, s1  }
0x8c: {  	s17 =	sshll.u32 s0, $0xA;
	s2 =	sadd.s32 s3, s2  }
0x8d: {  	s2 =	sadd.s32 s2, s17  }
0x8e: {  	[smem:$0x3FC5] =	sst s2  }
0x8f: {  	_ = 	snop  }
0x90: {  	s2 =	sld [smem:$0x3FC9]  }
0x91: {  	s18 =	sld [smem:$0x3FC8];
	(tm) =	ssettm $0x1  }
0x92: {  	s4 =	sld [smem:$0x3FFB];
	_ =	sdelay $0x3  }
0x93: {  	_ =	strace s4  }
0x94: {  	s4 =	sld [smem:$0x3FFC];
	_ =	sdelay $0x3  }
0x95: {  	_ =	strace s4  }
0x96: {  	s4 =	sld [smem:$0x3FFD];
	_ =	sdelay $0x3  }
0x97: {  	_ =	strace s4  }
0x98: {  	_ =	strace $0x8FFFFFFF  }
0x99: {  	s19 =	sld [smem:$0x3FDB];
	_ =	sdelay $0x1  }
0x9a: {  	s5 =	simm.s32 $_scs_section_size  }
0x9b: {  	s6 =	simm.s32 $_size__tile_overlayer_lowered;
	s7 =	simm.s32 $_tile_overlayer_lowered  }
0x9c: {  	s22 =	simm.s32 $0x1BFF;
	s21 =	sshll.u32 s7, $0x1;
	s4 =	sadd.s32 s5, s19  }
0x9d: {  	s8 =	simm.s32 $0x0;
	s20 =	sshll.u32 s6, $0x1;
	s6 =	sadd.s32 s21, s4  }
0x9e: {  	[timem:s8], [sflag:s22] =	dma.local [hbm:s6], s20  }
0x9f: {  	_ =	swait.ge [sflag:s22], s20  }
0xa0: {  	s5 =	ssub.s32 $0x0, s20;
	[sflag:s22] =	ssyncset.done $0x0  }
0xa1: {  	[sflag:s22] =	ssyncadd.s32 s5;
	_ =	sdelay $0x1  }
0xa2: {  	s23 =	simm.s32 $0x1B8B  }
0xa3: {  	_ =	swait.ge [sflag:s23], $0x1  }
0xa4: {  	[sflag:s23] =	ssyncset.done $0x0  }
0xa5: {  	s25 =	simm.s32 $0x1B8E;
	s24 =	sld [smem:$0x3FFE];
	[sflag:s23] =	ssyncadd.s32 $0xFFFFFFFF  }
0xa6: {  	s26 =	simm.s32 $execute0_lowered;
	[smem:$0x3FD2] =	sst s25  }
0xa7: {  	s6 =	sshll.u32 s26, $0x1;
	_ =	strace $0x80000046;
	[dreg:$0x1] =	wrdreg $0xFFFFFFFF  }
0xa8: {  	s28 =	simm.s32 $_size_execute0_lowered;
	s4 =	sadd.s32 s4, s6;
	[dreg:$0x0] =	wrdreg $0x0  }
0xa9: {  	s6 =	sshll.u32 s28, $0x1;
	[dreg:$0x2] =	wrdreg s4  }
0xaa: {  	[dreg:$0x3] =	wrdreg s6  }
0xab: {  	[dreg:$0x4] =	wrdreg $0xC0  }
0xac: {  	_ =	task [dreg:s8], $0x5FFFF  }
0xad: {  	[dreg:$0x1] =	wrdreg $0xFFFFFFFF  }
0xae: {  	[dreg:$0x0] =	wrdreg $0x60  }
0xaf: {  	[dreg:$0x2] =	wrdreg s2  }
0xb0: {  	[dreg:$0x3] =	wrdreg s18  }
0xb1: {  	[dreg:$0x4] =	wrdreg s24  }
0xb2: {  	[dreg:$0x5] =	wrdreg $0x9  }
0xb3: {  	_ =	task.clear_ibuf [dreg:s8], $0x6FFFF;
	_ =	strace $0x90000046  }
0xb4: {  	s29 =	simm.s32 $0x9;
	_ =	strace $0x80000048  }
0xb5: {  	_ =	swait.ge [sflag:s29], $0x1  }
0xb6: {  	[sflag:s29] =	ssyncadd.s32 $0xFFFFFFFF  }
0xb7: {  	_ =	strace $0x90000048  }
0xb8: {  	_ =	sfence  }
0xb9: {  	s30 =	sld [smem:$0x0];
	_ =	sdelay $0x2  }
0xba: {  	s31 =	sshll.u32 s1, $0xD;
	s1 =	sshrl.u32 s1, $0x2  }
0xbb: {  	s3 =	sand.u32 $0x4000, s31;
	s1 =	sadd.s32 s1, s30  }
0xbc: {  	s0 =	sor.u32 s3, s0;
	s1 =	sshll.u32 s1, $0x11  }
0xbd: {  	s0 =	sor.u32 s1, s0  }
0xbe: {  	s0 =	sadd.s32 $0x8F2B, s0  }
0xbf: {  	[sflag:s0] =	ssyncadd.remote.s32 $0x1  }
0xc0: {  	_ =	sfence.sel $0xFFFF  }
0xc1: {  	[dreg:$0x0] =	wrdreg $0xFFFFFFFF;
	(pc) =	sbr.abs _section_cstart, $3  }
0xc2: {  	[dreg:$0x1] =	wrdreg $0xFFFFFFFF  }
0xc3: {  	_ =	task.clear_ibuf [dreg:s8], $0x2FFFF;
	_ =	strace $0x9FFFFFFF  }
0xc4: {  	(tm) =	ssettm $0x7FFFFFFF  }
0xc5: {  	_ =	shalt  }
tec
execute0_lowered:
.L_overlay_start_1:
0x0: {  	(tag) =	ssettag $0x1  }
0x1: {  	s1 =	rddreg [dreg:$0x0]  }
0x2: {  	s3 =	rddreg [dreg:$0x1];
	s2 =	srdreg.scid  }
0x3: {  	s0 =	stileid.u32;
	s5 =	rddreg [dreg:$0x2]  }
0x4: {  	s4 =	simm.s32 $0x0;
	s10 =	simm.s32 $0x6000;
	s11 =	simm.s32 $0x0  }
0x5: {  	s6 =	sand.u32 $0x1, s2;
	s7 =	sshll.u32 s0, $0x1;
	s2 =	rddreg [dreg:$0x3]  }
0x6: {  	s15 =	simm.s32 $0x0;
	[smem:$0x7FF] =	sst s4;
	s7 =	sor.u32 s6, s7  }
0x7: {  	s6 =	ssub.s32 $0x2, s6;
	s8 =	smul.u32 $0x3000, s7;
	s7 =	sshll.u32 s7, $0x6  }
0x8: {  	_ =	strace $0x80000047;
	s9 =	sshrl.u32 s6, $0x1;
	s7 =	sadd.s32 s7, s5  }
0x9: {  	s9 =	ssub.s32 s6, s9;
	s5 =	sadd.s32 $0x540000, s8;
	s6 =	sadd.s32 $0x800, s7  }
0xa: {  	s7 =	smax.u32 s9, $0x1;
	s8 =	simm.s32 $0x1;
	s9 =	simm.s32 $0x3000  }
.LBB2_1:
0xb: {  	s12 =	simm.s32 $0x0  }
.LBB2_2:
0xc: {  	s13 =	smul.u32 $0x60000, s12;
	_ =	sdelay $0x1  }
0xd: {  	s13 =	sadd.s32 s13, s5  }
0xe: {  	s13 =	sshrl.u32 s13, $0x3  }
0xf: {  	s14 =	sadd.s32 s1, s13  }
0x10: {  	[tilespmem:s15], [sflag:$0x1] =	stream.linear.gather [hbm4b:s14+s15], $0x3000, $0x38;
	[tilespmem:$0x6200] =	vst v63  }
0x11: {  	_ =	swait.ge [sflag:s8], $0x3000  }
0x12: {  	[sflag:s8] =	ssyncset.done $0x0  }
0x13: {  	s13 =	sadd.s32 s3, s13;
	[sflag:s8] =	ssyncadd.s32 $0xFFFFD000  }
0x14: {  	[tilespmem:s9], [sflag:$0x1] =	stream.linear.gather [hbm4b:s13+s15], $0x3000, $0x38;
	[tilespmem:$0x6200] =	vst v63  }
0x15: {  	_ =	swait.ge [sflag:s8], $0x3000  }
0x16: {  	[sflag:s8] =	ssyncset.done $0x0  }
0x17: {  	s31 =	simm.s32 $0x0;
	[sflag:s8] =	ssyncadd.s32 $0xFFFFD000  }
0x18: {  	v0 =	vld [tilespmem:s31+$0x70]  }
0x19: {  	v1 =	vld [tilespmem:s31+$0x3070]  }
0x1a: {  	v2 =	vld [tilespmem:s31+$0x0]  }
0x1b: {  	v3 =	vld [tilespmem:s31+$0x3000]  }
0x1c: {  	v4 =	vld [tilespmem:s31+$0x10]  }
0x1d: {  	v5 =	vld [tilespmem:s31+$0x3010]  }
0x1e: {  	v6 =	vld [tilespmem:s31+$0x20]  }
0x1f: {  	v7 =	vld [tilespmem:s31+$0x3020]  }
0x20: {  	v9 =	vld [tilespmem:s31+$0x30]  }
0x21: {  	v11 =	vld [tilespmem:s31+$0x3030];
	_ =	sdelay $0x2  }
0x22: {  	v12 =	vld [tilespmem:s31+$0x3040];
	v0 =	vsub.f32 v0, v1;
	v2 =	vsub.f32 v2, v3  }
0x23: {  	v1 =	vld [tilespmem:s31+$0x40];
	v3 =	vsub.f32 v4, v5;
	v4 =	vsub.f32 v6, v7  }
0x24: {  	v8 =	vld [tilespmem:s31+$0x50];
	v13 =	vsub.f32 v9, v11;
	v0 =	vmul.f32 v0, v0;
	v2 =	vmul.f32 v2, v2  }
0x25: {  	v10 =	vld [tilespmem:s31+$0x3050];
	v6 =	vimm.f32 $0.0e+00;
	v3 =	vmul.f32 v3, v3;
	v7 =	vmul.f32 v4, v4  }
0x26: {  	v9 =	vld [tilespmem:s31+$0x60];
	v13 =	vmul.f32 v13, v13;
	v0 =	vadd.f32 v0, v6;
	v5 =	vadd.f32 v2, v6  }
0x27: {  	s13 =	simm.s32 $0x80;
	v11 =	vld [tilespmem:s31+$0x3060];
	v4 =	vadd.f32 v3, v6;
	v2 =	vadd.f32 v7, v6;
	v7 =	vimm.f32 $0.0e+00  }
0x28: {  	s14 =	simm.s32 $0x400;
	v3 =	vimm.f32 $0.0e+00;
	v14 =	vsub.f32 v1, v12;
	v12 =	vld [tilespmem:s13+$0x70];
	v1 =	vimm.f32 $0.0e+00  }
.LBB2_3:
0x29: {  	p0 =	sne.s32 s14, $0xBE00;
	v15 =	vld [tilespmem:s13+$0x3070]  }
0x2a: {  	v16 =	vld [tilespmem:s13+$0x0];
	v6 =	vadd.f32 v13, v6;
	v13 =	vmul.f32 v14, v14;
	v8 =	vsub.f32 v8, v10  }
0x2b: {  	v10 =	vld [tilespmem:s13+$0x3000]  }
0x2c: {  	v14 =	vld [tilespmem:s13+$0x10];
	v7 =	vadd.f32 v13, v7;
	v8 =	vmul.f32 v8, v8;
	v9 =	vsub.f32 v9, v11  }
0x2d: {  	v11 =	vld [tilespmem:s13+$0x3010]  }
0x2e: {  	v13 =	vld [tilespmem:s13+$0x20];
	v12 =	vsub.f32 v12, v15;
	v3 =	vadd.f32 v8, v3;
	v8 =	vmul.f32 v9, v9  }
0x2f: {  	v9 =	vld [tilespmem:s13+$0x3020]  }
0x30: {  	v10 =	vsub.f32 v16, v10;
	v15 =	vld [tilespmem:s13+$0x30];
	v12 =	vmul.f32 v12, v12;
	v1 =	vadd.f32 v8, v1  }
0x31: {  	v16 =	vld [tilespmem:s13+$0x3030]  }
0x32: {  	v8 =	vmul.f32 v10, v10;
	v10 =	vsub.f32 v14, v11;
	v14 =	vld [tilespmem:s13+$0x40];
	v0 =	vadd.f32 v12, v0  }
0x33: {  	v17 =	vld [tilespmem:s13+$0x3040]  }
.Ltmp0:
0x34: {  	v5 =	vadd.f32 v8, v5;
	v11 =	vmul.f32 v10, v10;
	v9 =	vsub.f32 v13, v9;
	v8 =	vld [tilespmem:s13+$0x50];
	(pc) =	sbr.rel @p0 .LBB2_3-.Ltmp0, $4  }
0x35: {  	v10 =	vld [tilespmem:s13+$0x3050]  }
0x36: {  	v4 =	vadd.f32 v11, v4;
	v13 =	vmul.f32 v9, v9;
	v15 =	vsub.f32 v15, v16;
	v9 =	vld [tilespmem:s13+$0x60]  }
0x37: {  	v11 =	vld [tilespmem:s13+$0x3060];
	s13 =	sshra.s32 s14, $0x2  }
0x38: {  	s14 =	sadd.s32 $0x200, s14;
	v12 =	vld [tilespmem:s13+$0x70];
	v2 =	vadd.f32 v13, v2;
	v13 =	vmul.f32 v15, v15;
	v14 =	vsub.f32 v14, v17  }
0x39: {  	v15 =	vld [tilespmem:s13+$0x3070]  }
0x3a: {  	v16 =	vld [tilespmem:s13+$0x0]  }
0x3b: {  	v17 =	vld [tilespmem:s13+$0x3000]  }
0x3c: {  	v18 =	vld [tilespmem:s13+$0x10]  }
0x3d: {  	v19 =	vld [tilespmem:s13+$0x3010]  }
0x3e: {  	v20 =	vld [tilespmem:s13+$0x20]  }
0x3f: {  	v21 =	vld [tilespmem:s13+$0x3020]  }
0x40: {  	v22 =	vld [tilespmem:s13+$0x30]  }
0x41: {  	v23 =	vld [tilespmem:s13+$0x3030]  }
0x42: {  	v24 =	vld [tilespmem:s13+$0x40]  }
0x43: {  	v25 =	vld [tilespmem:s13+$0x3040]  }
0x44: {  	v46 =	vld [tilespmem:s13+$0x50];
	v14 =	vmul.f32 v14, v14  }
0x45: {  	v48 =	vld [tilespmem:s13+$0x3050];
	v6 =	vadd.f32 v13, v6;
	v8 =	vsub.f32 v8, v10  }
0x46: {  	v50 =	vld [tilespmem:s13+$0x60];
	v7 =	vadd.f32 v14, v7;
	v16 =	vsub.f32 v16, v17  }
0x47: {  	v53 =	vld [tilespmem:s13+$0x3060];
	v9 =	vsub.f32 v9, v11;
	v8 =	vmul.f32 v8, v8;
	v47 =	vsub.f32 v18, v19  }
0x48: {  	v51 =	vsub.f32 v12, v15;
	v54 =	vsub.f32 v20, v21;
	v49 =	vmul.f32 v16, v16  }
0x49: {  	v55 =	vsub.f32 v22, v23;
	v56 =	vsub.f32 v24, v25;
	v52 =	vmul.f32 v47, v47  }
0x4a: {  	s31 =	sshll.u32 s12, $0x7;
	v57 =	vsub.f32 v46, v48;
	v10 =	vmul.f32 v54, v54;
	v5 =	vadd.f32 v49, v5  }
0x4b: {  	s13 =	sand.u32 $0x3FFFFF80, s31;
	v9 =	vmul.f32 v9, v9;
	v12 =	vmul.f32 v55, v55;
	v4 =	vadd.f32 v52, v4  }
0x4c: {  	v13 =	vsub.f32 v50, v53;
	v58 =	vmul.f32 v56, v56;
	v2 =	vadd.f32 v10, v2;
	[tilespmem:s13+$0x6000] =	vst v5  }
0x4d: {  	s12 =	sadd.s32 $0x1, s12;
	v3 =	vadd.f32 v8, v3;
	v60 =	vmul.f32 v57, v57;
	v59 =	vadd.f32 v12, v6;
	[tilespmem:s13+$0x6010] =	vst v4  }
0x4e: {  	p0 =	sne.s32 s12, $0x3;
	v1 =	vadd.f32 v9, v1;
	v62 =	vmul.f32 v13, v13;
	v61 =	vadd.f32 v58, v7;
	[tilespmem:s13+$0x6020] =	vst v2  }
.Ltmp1:
0x4f: {  	v63 =	vmul.f32 v51, v51;
	v3 =	vadd.f32 v60, v3;
	[tilespmem:s13+$0x6030] =	vst v59;
	(pc) =	sbr.rel @p0 .LBB2_2-.Ltmp1, $4  }
0x50: {  	v1 =	vadd.f32 v62, v1;
	[tilespmem:s13+$0x6040] =	vst v61  }
0x51: {  	v0 =	vadd.f32 v63, v0;
	[tilespmem:s13+$0x6050] =	vst v3  }
0x52: {  	[tilespmem:s13+$0x6060] =	vst v1  }
0x53: {  	[tilespmem:s13+$0x6070] =	vst v0  }
0x54: {  	s11 =	sadd.s32 $0x1, s11  }
0x55: {  	p0 =	sne.s32 s11, s7  }
.Ltmp2:
0x56: {  	_ = 	snop;
	(pc) =	sbr.rel @p0 .LBB2_1-.Ltmp2, $4  }
0x57: {  	[hbm4b:s6+s4] =	stream.linear.scatter [tilespmem:s10], [sflag:$0x1], $0x180, $0x38;
	[tilespmem:$0x6200] =	vst v63  }
0x58: {  	_ =	swait.ge [sflag:s8], $0x180  }
0x59: {  	[sflag:s8] =	ssyncset.done $0x0  }
0x5a: {  	[sflag:s8] =	ssyncadd.s32 $0xFFFFFE80  }
0x5b: {  	_ =	sfence.sel $0x180000  }
0x5c: {  	[bflag:$0x0] =	sbarrier.arrive $0xFFFF  }
0x5d: {  	p0 =	sne.s32 s0, $0x0;
	_ =	strace $0x90000047  }
0x5e: {  	s0 =	sadd.s32 @!p0 $0x100000, s2;
	[bflag:$0x2] =	sbarrier.arrive $0xFFFF  }
0x5f: {  	[sflag:s0] =	ssyncadd.tile.s32 @!p0 $0x1;
	_ =	shalt  }
.Lfunc_end2:
_tile_overlayer_lowered:
.L_overlay_start_2:
0x60: {  	(tag) =	ssettag $0x2  }
0x61: {  	s0 =	rddreg [dreg:$0x0];
	s2 =	stileid.u32  }
0x62: {  	s1 =	rddreg [dreg:$0x1];
	p0 =	sne.s32 s2, $0x0  }
0x63: {  	s3 =	rddreg [dreg:$0x2];
	[bflag:$0x3] =	sbarrier.arrive $0xFFFF;
	s2 =	simm.s32 @!p0 $0x1C01  }
0x64: {  	[timem:s3], [sflag:s2] =	dma.local @!p0 [hbm:s0], s1  }
0x65: {  	s0 =	simm.s32 @!p0 $0x1  }
0x66: {  	_ =	swait.ge @!p0 [sflag:s0], s1  }
0x67: {  	s1 =	ssub.s32 @!p0 $0x0, s1;
	[sflag:s0] =	ssyncset.done @!p0 $0x0  }
0x68: {  	[sflag:s0] =	ssyncadd.s32 @!p0 s1  }
0x69: {  	[bflag:$0x3] =	sbarrier.arrive $0xFFFF  }
0x6a: {  	_ =	shalt  }

</sc_bundles>
